<compile_context>
chip_gen: v7x
topology: tpu7x:2x2x1
jax: 0.10.2.dev20260603
libtpu: 0.0.44.dev20260713+nightly
codegen_flags: <defaults>
</compile_context>

<pallas_src>
import functools

import jax
import jax.numpy as jnp
from jax import lax
from jax.experimental import pallas as pl
from jax.experimental.pallas import tpu as pltpu
from jax.experimental.pallas import tpu_sc as plsc

BATCH = 4096
HIST_LEN = 50
DIM = 128
NUM_WORKERS = 32
CHUNK = 64
TOTAL = BATCH * HIST_LEN
PER_WORKER = TOTAL // NUM_WORKERS
N_CHUNKS = PER_WORKER // CHUNK
NBUF = 5
OUTER = N_CHUNKS // NBUF


def _make_gather():
    mesh = plsc.VectorSubcoreMesh(core_axis_name="c", subcore_axis_name="s")

    scratch = [pltpu.VMEM((N_CHUNKS, CHUNK), jnp.int32)]
    scratch += [pltpu.VMEM((CHUNK, DIM), jnp.float32) for _ in range(NBUF)]
    scratch += [pltpu.SemaphoreType.DMA for _ in range(2 * NBUF + 1)]
    scratch += [pltpu.VMEM_SHARED((8192, DIM), jnp.float32)]

    @functools.partial(
        pl.kernel,
        mesh=mesh,
        out_type=jax.ShapeDtypeStruct((NUM_WORKERS * N_CHUNKS, CHUNK, DIM),
                                      jnp.float32),
        scratch_types=scratch,
    )
    def gather(table_hbm, idx_hbm, out_hbm, idx_v, *bufs):
        rows = bufs[:NBUF]
        gsem = bufs[NBUF:2 * NBUF]
        wsem = bufs[2 * NBUF:3 * NBUF]
        ssem = bufs[3 * NBUF]
        table_sp = bufs[3 * NBUF + 1]
        sid = lax.axis_index("s")
        wid = sid * 2 + lax.axis_index("c")
        obase = wid * N_CHUNKS
        rows_per_tile = 8192 // 16
        stage = pltpu.async_copy(
            table_hbm.at[pl.ds(sid * rows_per_tile, rows_per_tile)],
            table_sp.at[pl.ds(sid * rows_per_tile, rows_per_tile)], ssem)
        pltpu.sync_copy(idx_hbm.at[wid], idx_v)

        for b in range(NBUF):
            pltpu.async_copy(table_hbm.at[idx_v.at[b]], rows[b], gsem[b])
        stage.wait()
        plsc.subcore_barrier()

        @pl.loop(0, OUTER)
        def _outer(p):
            jb = p * NBUF
            for b in range(NBUF):
                pltpu.make_async_copy(
                    table_hbm.at[pl.ds(0, CHUNK)], rows[b], gsem[b]).wait()
                pltpu.async_copy(rows[b], out_hbm.at[obase + jb + b], wsem[b])

            @pl.when(p < OUTER - 1)
            def _refill():
                for b in range(NBUF):
                    pltpu.make_async_copy(
                        rows[b], out_hbm.at[obase], wsem[b]).wait()
                    src = table_hbm if b == 0 else table_sp
                    pltpu.async_copy(
                        src.at[idx_v.at[jb + NBUF + b]], rows[b], gsem[b])

        for b in range(NBUF):
            pltpu.make_async_copy(rows[b], out_hbm.at[obase], wsem[b]).wait()

    return gather


_gather = _make_gather()


def kernel(ids, table):
    idx = ids.T.reshape(NUM_WORKERS, N_CHUNKS, CHUNK)
    out = _gather(table, idx)
    return out.reshape(HIST_LEN, BATCH, DIM).transpose(1, 0, 2)

# --- scband reference (transcript-rebuilt; emitter-appended) ---
"""Pipeline reference for scband-sinusoidal-embeddings-20744692040147 (READ-ONLY COPY).

The authoritative reference and input builder live on the scoring server;
editing this copy changes nothing except your own understanding.
"""

import jax, jax.numpy as jnp
import numpy as np

NUM_EMBEDDINGS = 8192
EMBEDDING_DIM = 128
PAD_TOKEN_ID = 0
DIV_SCALE = 10000
BATCH = 4096
HIST_LEN = 50


def _sinusoidal_table(num_embeddings, embedding_dim, pad_token_id, div_scale):
    # Standard sinusoidal position embedding table:
    # pe[pos, 2i]   = sin(pos / div_scale^(2i/d))
    # pe[pos, 2i+1] = cos(pos / div_scale^(2i/d))
    position = np.arange(num_embeddings, dtype=np.float32)[:, None]
    dim_idx = np.arange(embedding_dim, dtype=np.float32)[None, :]
    div = np.power(float(div_scale), 2.0 * np.floor(dim_idx / 2.0) / float(embedding_dim))
    angles = position / div
    table = np.zeros((num_embeddings, embedding_dim), dtype=np.float32)
    table[:, 0::2] = np.sin(angles[:, 0::2])
    table[:, 1::2] = np.cos(angles[:, 1::2])
    # padding_idx row is zeroed (nn.Embedding padding_idx semantics)
    table[pad_token_id] = 0.0
    return jnp.asarray(table)


def setup_inputs(seed: int = 0) -> dict:
    key = jax.random.key(seed)
    ids = jax.random.randint(key, (BATCH, HIST_LEN), 0, NUM_EMBEDDINGS, dtype=jnp.int32)
    table = _sinusoidal_table(NUM_EMBEDDINGS, EMBEDDING_DIM, PAD_TOKEN_ID, DIV_SCALE)
    return {"ids": ids, "table": table}


def reference(ids, table):
    # forward: position embedding lookup
    return jnp.take(table, ids, axis=0)

if __name__ == "__main__":
    import jax
    _d = setup_inputs()
    print(jax.jit(kernel)(*tuple(_d.values())))

</pallas_src>

<mosaic_0001>
#map = affine_map<(d0, d1) -> (0, 0)>
#map1 = affine_map<(d0, d1) -> (0, 0, 0)>
module attributes {stable_mosaic.version = 14 : i64} {
  func.func @gather(%arg0: i32, %arg1: i32, %arg2: memref<8192x128xf32, #tpu.memory_space<hbm>>, %arg3: memref<32x100x64xi32, #tpu.memory_space<hbm>>, %arg4: memref<3200x64x128xf32, #tpu.memory_space<hbm>>, %arg5: memref<100x64xi32, #tpu.memory_space<vmem>>, %arg6: memref<64x128xf32, #tpu.memory_space<vmem>>, %arg7: memref<64x128xf32, #tpu.memory_space<vmem>>, %arg8: memref<64x128xf32, #tpu.memory_space<vmem>>, %arg9: memref<64x128xf32, #tpu.memory_space<vmem>>, %arg10: memref<64x128xf32, #tpu.memory_space<vmem>>, %arg11: memref<!tpu.dma_semaphore, #tpu.memory_space<semaphore_mem>>, %arg12: memref<!tpu.dma_semaphore, #tpu.memory_space<semaphore_mem>>, %arg13: memref<!tpu.dma_semaphore, #tpu.memory_space<semaphore_mem>>, %arg14: memref<!tpu.dma_semaphore, #tpu.memory_space<semaphore_mem>>, %arg15: memref<!tpu.dma_semaphore, #tpu.memory_space<semaphore_mem>>, %arg16: memref<!tpu.dma_semaphore, #tpu.memory_space<semaphore_mem>>, %arg17: memref<!tpu.dma_semaphore, #tpu.memory_space<semaphore_mem>>, %arg18: memref<!tpu.dma_semaphore, #tpu.memory_space<semaphore_mem>>, %arg19: memref<!tpu.dma_semaphore, #tpu.memory_space<semaphore_mem>>, %arg20: memref<!tpu.dma_semaphore, #tpu.memory_space<semaphore_mem>>, %arg21: memref<!tpu.dma_semaphore, #tpu.memory_space<semaphore_mem>>, %arg22: memref<8192x128xf32, #tpu.memory_space<vmem_shared>>) attributes {dimension_semantics = [#tpu.dimension_semantics<core_parallel>, #tpu.dimension_semantics<subcore_parallel>], iteration_bounds = array<i64: 2, 16>, scalar_prefetch = 0 : i64, scratch_operands = 18 : i64, tpu.core_type = #tpu.core_type<sc_vector_subcore>, window_params = [{transform_indices = #map}, {transform_indices = #map1}, {transform_indices = #map1}]} {
    %mul3A = arith.constant 2 : i32
    %mul3A_0 = arith.muli %arg1, %mul3A : i32
    %add3A = arith.addi %mul3A_0, %arg0 : i32
    %mul3A_1 = arith.constant 100 : i32
    %mul3A_2 = arith.muli %add3A, %mul3A_1 : i32
    %mul3A_3 = arith.constant 512 : i32
    %mul3A_4 = arith.muli %arg1, %mul3A_3 : i32
    %mul3A_5 = arith.constant 512 : i32
    %mul3A_6 = arith.muli %arg1, %mul3A_5 : i32
    %dma_start3A = arith.constant 0 : i32
    %dma_start3A_7 = tpu.memref_slice %arg22[%mul3A_6, %dma_start3A] : memref<8192x128xf32, #tpu.memory_space<vmem_shared>> -> memref<512x128xf32, #tpu.memory_space<vmem_shared>>
    %dma_start3A_8 = arith.constant 0 : i32
    %dma_start3A_9 = tpu.memref_slice %arg2[%mul3A_4, %dma_start3A_8] : memref<8192x128xf32, #tpu.memory_space<hbm>> -> memref<512x128xf32, #tpu.memory_space<hbm>>
    tpu.enqueue_dma source(%dma_start3A_9 : memref<512x128xf32, #tpu.memory_space<hbm>>) target(%dma_start3A_7 : memref<512x128xf32, #tpu.memory_space<vmem_shared>>) target_semaphore(%arg21 : memref<!tpu.dma_semaphore, #tpu.memory_space<semaphore_mem>>)
    "tpu.region"() ({
      %run_scoped3A = tpu.sem_alloc : memref<!tpu.dma_semaphore, #tpu.memory_space<semaphore_mem>>
      %dma_start3A_92 = arith.constant 0 : i32
      %dma_start3A_93 = arith.constant 0 : i32
      %dma_start3A_94 = tpu.memref_slice %arg3[%add3A, %dma_start3A_92, %dma_start3A_93] : memref<32x100x64xi32, #tpu.memory_space<hbm>> -> memref<1x100x64xi32, #tpu.memory_space<hbm>>
      %dma_start3A_95 = tpu.memref_squeeze %dma_start3A_94 : memref<1x100x64xi32, #tpu.memory_space<hbm>> -> memref<100x64xi32, #tpu.memory_space<hbm>>
      %dma_start3A_96 = arith.constant 0 : i32
      %dma_start3A_97 = arith.constant 0 : i32
      %dma_start3A_98 = tpu.memref_slice %arg3[%add3A, %dma_start3A_96, %dma_start3A_97] : memref<32x100x64xi32, #tpu.memory_space<hbm>> -> memref<1x100x64xi32, #tpu.memory_space<hbm>>
      %dma_start3A_99 = tpu.memref_squeeze %dma_start3A_98 : memref<1x100x64xi32, #tpu.memory_space<hbm>> -> memref<100x64xi32, #tpu.memory_space<hbm>>
      tpu.enqueue_dma source(%dma_start3A_99 : memref<100x64xi32, #tpu.memory_space<hbm>>) target(%arg5 : memref<100x64xi32, #tpu.memory_space<vmem>>) target_semaphore(%run_scoped3A : memref<!tpu.dma_semaphore, #tpu.memory_space<semaphore_mem>>)
      %dma_wait3A_100 = arith.constant 0 : i32
      %dma_wait3A_101 = arith.constant 0 : i32
      %dma_wait3A_102 = tpu.memref_slice %arg3[%add3A, %dma_wait3A_100, %dma_wait3A_101] : memref<32x100x64xi32, #tpu.memory_space<hbm>> -> memref<1x100x64xi32, #tpu.memory_space<hbm>>
      %dma_wait3A_103 = tpu.memref_squeeze %dma_wait3A_102 : memref<1x100x64xi32, #tpu.memory_space<hbm>> -> memref<100x64xi32, #tpu.memory_space<hbm>>
      %dma_wait3A_104 = arith.constant 0 : i32
      %dma_wait3A_105 = arith.constant 0 : i32
      %dma_wait3A_106 = tpu.memref_slice %arg3[%add3A, %dma_wait3A_104, %dma_wait3A_105] : memref<32x100x64xi32, #tpu.memory_space<hbm>> -> memref<1x100x64xi32, #tpu.memory_space<hbm>>
      %dma_wait3A_107 = tpu.memref_squeeze %dma_wait3A_106 : memref<1x100x64xi32, #tpu.memory_space<hbm>> -> memref<100x64xi32, #tpu.memory_space<hbm>>
      tpu.wait_dma2 semaphore(%run_scoped3A : memref<!tpu.dma_semaphore, #tpu.memory_space<semaphore_mem>>) src(%dma_wait3A_107 : memref<100x64xi32, #tpu.memory_space<hbm>>) dst(%arg5 : memref<100x64xi32, #tpu.memory_space<vmem>>)
      tpu.yield
    }) : () -> ()
    %dma_start3A_10 = arith.constant 0 : i32
    %dma_start3A_11 = arith.constant 0 : i32
    %dma_start3A_12 = tpu.memref_slice %arg5[%dma_start3A_10, %dma_start3A_11] : memref<100x64xi32, #tpu.memory_space<vmem>> -> memref<1x64xi32, #tpu.memory_space<vmem>>
    %dma_start3A_13 = tpu.memref_squeeze %dma_start3A_12 : memref<1x64xi32, #tpu.memory_space<vmem>> -> memref<64xi32, #tpu.memory_space<vmem>>
    %dma_start3A_14 = arith.constant 0 : i32
    %dma_start3A_15 = arith.constant 0 : i32
    %dma_start3A_16 = tpu.memref_slice %arg2[%dma_start3A_14, %dma_start3A_15] : memref<8192x128xf32, #tpu.memory_space<hbm>> -> memref<8192x128xf32, #tpu.memory_space<hbm>>
    tpu.enqueue_indirect_dma source(%dma_start3A_16 : memref<8192x128xf32, #tpu.memory_space<hbm>>) target(%arg6 : memref<64x128xf32, #tpu.memory_space<vmem>>) offsets(%dma_start3A_13 : memref<64xi32, #tpu.memory_space<vmem>>) semaphore(%arg11 : memref<!tpu.dma_semaphore, #tpu.memory_space<semaphore_mem>>)
    %dma_start3A_17 = arith.constant 1 : i32
    %dma_start3A_18 = arith.constant 0 : i32
    %dma_start3A_19 = tpu.memref_slice %arg5[%dma_start3A_17, %dma_start3A_18] : memref<100x64xi32, #tpu.memory_space<vmem>> -> memref<1x64xi32, #tpu.memory_space<vmem>>
    %dma_start3A_20 = tpu.memref_squeeze %dma_start3A_19 : memref<1x64xi32, #tpu.memory_space<vmem>> -> memref<64xi32, #tpu.memory_space<vmem>>
    %dma_start3A_21 = arith.constant 0 : i32
    %dma_start3A_22 = arith.constant 0 : i32
    %dma_start3A_23 = tpu.memref_slice %arg2[%dma_start3A_21, %dma_start3A_22] : memref<8192x128xf32, #tpu.memory_space<hbm>> -> memref<8192x128xf32, #tpu.memory_space<hbm>>
    tpu.enqueue_indirect_dma source(%dma_start3A_23 : memref<8192x128xf32, #tpu.memory_space<hbm>>) target(%arg7 : memref<64x128xf32, #tpu.memory_space<vmem>>) offsets(%dma_start3A_20 : memref<64xi32, #tpu.memory_space<vmem>>) semaphore(%arg12 : memref<!tpu.dma_semaphore, #tpu.memory_space<semaphore_mem>>)
    %dma_start3A_24 = arith.constant 2 : i32
    %dma_start3A_25 = arith.constant 0 : i32
    %dma_start3A_26 = tpu.memref_slice %arg5[%dma_start3A_24, %dma_start3A_25] : memref<100x64xi32, #tpu.memory_space<vmem>> -> memref<1x64xi32, #tpu.memory_space<vmem>>
    %dma_start3A_27 = tpu.memref_squeeze %dma_start3A_26 : memref<1x64xi32, #tpu.memory_space<vmem>> -> memref<64xi32, #tpu.memory_space<vmem>>
    %dma_start3A_28 = arith.constant 0 : i32
    %dma_start3A_29 = arith.constant 0 : i32
    %dma_start3A_30 = tpu.memref_slice %arg2[%dma_start3A_28, %dma_start3A_29] : memref<8192x128xf32, #tpu.memory_space<hbm>> -> memref<8192x128xf32, #tpu.memory_space<hbm>>
    tpu.enqueue_indirect_dma source(%dma_start3A_30 : memref<8192x128xf32, #tpu.memory_space<hbm>>) target(%arg8 : memref<64x128xf32, #tpu.memory_space<vmem>>) offsets(%dma_start3A_27 : memref<64xi32, #tpu.memory_space<vmem>>) semaphore(%arg13 : memref<!tpu.dma_semaphore, #tpu.memory_space<semaphore_mem>>)
    %dma_start3A_31 = arith.constant 3 : i32
    %dma_start3A_32 = arith.constant 0 : i32
    %dma_start3A_33 = tpu.memref_slice %arg5[%dma_start3A_31, %dma_start3A_32] : memref<100x64xi32, #tpu.memory_space<vmem>> -> memref<1x64xi32, #tpu.memory_space<vmem>>
    %dma_start3A_34 = tpu.memref_squeeze %dma_start3A_33 : memref<1x64xi32, #tpu.memory_space<vmem>> -> memref<64xi32, #tpu.memory_space<vmem>>
    %dma_start3A_35 = arith.constant 0 : i32
    %dma_start3A_36 = arith.constant 0 : i32
    %dma_start3A_37 = tpu.memref_slice %arg2[%dma_start3A_35, %dma_start3A_36] : memref<8192x128xf32, #tpu.memory_space<hbm>> -> memref<8192x128xf32, #tpu.memory_space<hbm>>
    tpu.enqueue_indirect_dma source(%dma_start3A_37 : memref<8192x128xf32, #tpu.memory_space<hbm>>) target(%arg9 : memref<64x128xf32, #tpu.memory_space<vmem>>) offsets(%dma_start3A_34 : memref<64xi32, #tpu.memory_space<vmem>>) semaphore(%arg14 : memref<!tpu.dma_semaphore, #tpu.memory_space<semaphore_mem>>)
    %dma_start3A_38 = arith.constant 4 : i32
    %dma_start3A_39 = arith.constant 0 : i32
    %dma_start3A_40 = tpu.memref_slice %arg5[%dma_start3A_38, %dma_start3A_39] : memref<100x64xi32, #tpu.memory_space<vmem>> -> memref<1x64xi32, #tpu.memory_space<vmem>>
    %dma_start3A_41 = tpu.memref_squeeze %dma_start3A_40 : memref<1x64xi32, #tpu.memory_space<vmem>> -> memref<64xi32, #tpu.memory_space<vmem>>
    %dma_start3A_42 = arith.constant 0 : i32
    %dma_start3A_43 = arith.constant 0 : i32
    %dma_start3A_44 = tpu.memref_slice %arg2[%dma_start3A_42, %dma_start3A_43] : memref<8192x128xf32, #tpu.memory_space<hbm>> -> memref<8192x128xf32, #tpu.memory_space<hbm>>
    tpu.enqueue_indirect_dma source(%dma_start3A_44 : memref<8192x128xf32, #tpu.memory_space<hbm>>) target(%arg10 : memref<64x128xf32, #tpu.memory_space<vmem>>) offsets(%dma_start3A_41 : memref<64xi32, #tpu.memory_space<vmem>>) semaphore(%arg15 : memref<!tpu.dma_semaphore, #tpu.memory_space<semaphore_mem>>)
    %dma_wait3A = arith.constant 0 : i32
    %dma_wait3A_45 = tpu.memref_slice %arg22[%mul3A_6, %dma_wait3A] : memref<8192x128xf32, #tpu.memory_space<vmem_shared>> -> memref<512x128xf32, #tpu.memory_space<vmem_shared>>
    %dma_wait3A_46 = arith.constant 0 : i32
    %dma_wait3A_47 = tpu.memref_slice %arg2[%mul3A_4, %dma_wait3A_46] : memref<8192x128xf32, #tpu.memory_space<hbm>> -> memref<512x128xf32, #tpu.memory_space<hbm>>
    tpu.wait_dma2 semaphore(%arg21 : memref<!tpu.dma_semaphore, #tpu.memory_space<semaphore_mem>>) src(%dma_wait3A_47 : memref<512x128xf32, #tpu.memory_space<hbm>>) dst(%dma_wait3A_45 : memref<512x128xf32, #tpu.memory_space<vmem_shared>>)
    %barrier3A = arith.constant 0 : index
    tpu.barrier barrier_id(%barrier3A)
    %scan3A = arith.constant 0 : i32
    %scan3A_48 = arith.constant 20 : i32
    %scan3A_49 = arith.addi %scan3A, %scan3A_48 : i32
    %scan3A_50 = arith.constant 1 : i32
    scf.for %scan3A_92 = %scan3A to %scan3A_49 step %scan3A_50  : i32 {
      %mul3A_93 = arith.constant 1 : i32
      %mul3A_94 = arith.muli %scan3A_92, %mul3A_93 : i32
      %add3A_95 = arith.constant 0 : i32
      %add3A_96 = arith.addi %add3A_95, %mul3A_94 : i32
      %mul3A_97 = arith.constant 5 : i32
      %mul3A_98 = arith.muli %add3A_96, %mul3A_97 : i32
      %dma_wait3A_99 = arith.constant 0 : i32
      %dma_wait3A_100 = arith.constant 0 : i32
      %dma_wait3A_101 = tpu.memref_slice %arg2[%dma_wait3A_99, %dma_wait3A_100] : memref<8192x128xf32, #tpu.memory_space<hbm>> -> memref<64x128xf32, #tpu.memory_space<hbm>>
      %dma_wait3A_102 = arith.constant 0 : i32
      %dma_wait3A_103 = arith.constant 0 : i32
      %dma_wait3A_104 = tpu.memref_slice %arg2[%dma_wait3A_102, %dma_wait3A_103] : memref<8192x128xf32, #tpu.memory_space<hbm>> -> memref<64x128xf32, #tpu.memory_space<hbm>>
      tpu.wait_dma2 semaphore(%arg11 : memref<!tpu.dma_semaphore, #tpu.memory_space<semaphore_mem>>) src(%dma_wait3A_104 : memref<64x128xf32, #tpu.memory_space<hbm>>) dst(%arg6 : memref<64x128xf32, #tpu.memory_space<vmem>>)
      %add3A_105 = arith.addi %mul3A_2, %mul3A_98 : i32
      %add3A_106 = arith.constant 0 : i32
      %add3A_107 = arith.addi %add3A_105, %add3A_106 : i32
      %dma_start3A_108 = arith.constant 0 : i32
      %dma_start3A_109 = arith.constant 0 : i32
      %dma_start3A_110 = tpu.memref_slice %arg4[%add3A_107, %dma_start3A_108, %dma_start3A_109] : memref<3200x64x128xf32, #tpu.memory_space<hbm>> -> memref<1x64x128xf32, #tpu.memory_space<hbm>>
      %dma_start3A_111 = tpu.memref_squeeze %dma_start3A_110 : memref<1x64x128xf32, #tpu.memory_space<hbm>> -> memref<64x128xf32, #tpu.memory_space<hbm>>
      %dma_start3A_112 = arith.constant 0 : i32
      %dma_start3A_113 = arith.constant 0 : i32
      %dma_start3A_114 = tpu.memref_slice %arg4[%add3A_107, %dma_start3A_112, %dma_start3A_113] : memref<3200x64x128xf32, #tpu.memory_space<hbm>> -> memref<1x64x128xf32, #tpu.memory_space<hbm>>
      %dma_start3A_115 = tpu.memref_squeeze %dma_start3A_114 : memref<1x64x128xf32, #tpu.memory_space<hbm>> -> memref<64x128xf32, #tpu.memory_space<hbm>>
      tpu.enqueue_dma source(%arg6 : memref<64x128xf32, #tpu.memory_space<vmem>>) target(%dma_start3A_115 : memref<64x128xf32, #tpu.memory_space<hbm>>) target_semaphore(%arg16 : memref<!tpu.dma_semaphore, #tpu.memory_space<semaphore_mem>>)
      %dma_wait3A_116 = arith.constant 0 : i32
      %dma_wait3A_117 = arith.constant 0 : i32
      %dma_wait3A_118 = tpu.memref_slice %arg2[%dma_wait3A_116, %dma_wait3A_117] : memref<8192x128xf32, #tpu.memory_space<hbm>> -> memref<64x128xf32, #tpu.memory_space<hbm>>
      %dma_wait3A_119 = arith.constant 0 : i32
      %dma_wait3A_120 = arith.constant 0 : i32
      %dma_wait3A_121 = tpu.memref_slice %arg2[%dma_wait3A_119, %dma_wait3A_120] : memref<8192x128xf32, #tpu.memory_space<hbm>> -> memref<64x128xf32, #tpu.memory_space<hbm>>
      tpu.wait_dma2 semaphore(%arg12 : memref<!tpu.dma_semaphore, #tpu.memory_space<semaphore_mem>>) src(%dma_wait3A_121 : memref<64x128xf32, #tpu.memory_space<hbm>>) dst(%arg7 : memref<64x128xf32, #tpu.memory_space<vmem>>)
      %add3A_122 = arith.addi %mul3A_2, %mul3A_98 : i32
      %add3A_123 = arith.constant 1 : i32
      %add3A_124 = arith.addi %add3A_122, %add3A_123 : i32
      %dma_start3A_125 = arith.constant 0 : i32
      %dma_start3A_126 = arith.constant 0 : i32
      %dma_start3A_127 = tpu.memref_slice %arg4[%add3A_124, %dma_start3A_125, %dma_start3A_126] : memref<3200x64x128xf32, #tpu.memory_space<hbm>> -> memref<1x64x128xf32, #tpu.memory_space<hbm>>
      %dma_start3A_128 = tpu.memref_squeeze %dma_start3A_127 : memref<1x64x128xf32, #tpu.memory_space<hbm>> -> memref<64x128xf32, #tpu.memory_space<hbm>>
      %dma_start3A_129 = arith.constant 0 : i32
      %dma_start3A_130 = arith.constant 0 : i32
      %dma_start3A_131 = tpu.memref_slice %arg4[%add3A_124, %dma_start3A_129, %dma_start3A_130] : memref<3200x64x128xf32, #tpu.memory_space<hbm>> -> memref<1x64x128xf32, #tpu.memory_space<hbm>>
      %dma_start3A_132 = tpu.memref_squeeze %dma_start3A_131 : memref<1x64x128xf32, #tpu.memory_space<hbm>> -> memref<64x128xf32, #tpu.memory_space<hbm>>
      tpu.enqueue_dma source(%arg7 : memref<64x128xf32, #tpu.memory_space<vmem>>) target(%dma_start3A_132 : memref<64x128xf32, #tpu.memory_space<hbm>>) target_semaphore(%arg17 : memref<!tpu.dma_semaphore, #tpu.memory_space<semaphore_mem>>)
      %dma_wait3A_133 = arith.constant 0 : i32
      %dma_wait3A_134 = arith.constant 0 : i32
      %dma_wait3A_135 = tpu.memref_slice %arg2[%dma_wait3A_133, %dma_wait3A_134] : memref<8192x128xf32, #tpu.memory_space<hbm>> -> memref<64x128xf32, #tpu.memory_space<hbm>>
      %dma_wait3A_136 = arith.constant 0 : i32
      %dma_wait3A_137 = arith.constant 0 : i32
      %dma_wait3A_138 = tpu.memref_slice %arg2[%dma_wait3A_136, %dma_wait3A_137] : memref<8192x128xf32, #tpu.memory_space<hbm>> -> memref<64x128xf32, #tpu.memory_space<hbm>>
      tpu.wait_dma2 semaphore(%arg13 : memref<!tpu.dma_semaphore, #tpu.memory_space<semaphore_mem>>) src(%dma_wait3A_138 : memref<64x128xf32, #tpu.memory_space<hbm>>) dst(%arg8 : memref<64x128xf32, #tpu.memory_space<vmem>>)
      %add3A_139 = arith.addi %mul3A_2, %mul3A_98 : i32
      %add3A_140 = arith.constant 2 : i32
      %add3A_141 = arith.addi %add3A_139, %add3A_140 : i32
      %dma_start3A_142 = arith.constant 0 : i32
      %dma_start3A_143 = arith.constant 0 : i32
      %dma_start3A_144 = tpu.memref_slice %arg4[%add3A_141, %dma_start3A_142, %dma_start3A_143] : memref<3200x64x128xf32, #tpu.memory_space<hbm>> -> memref<1x64x128xf32, #tpu.memory_space<hbm>>
      %dma_start3A_145 = tpu.memref_squeeze %dma_start3A_144 : memref<1x64x128xf32, #tpu.memory_space<hbm>> -> memref<64x128xf32, #tpu.memory_space<hbm>>
      %dma_start3A_146 = arith.constant 0 : i32
      %dma_start3A_147 = arith.constant 0 : i32
      %dma_start3A_148 = tpu.memref_slice %arg4[%add3A_141, %dma_start3A_146, %dma_start3A_147] : memref<3200x64x128xf32, #tpu.memory_space<hbm>> -> memref<1x64x128xf32, #tpu.memory_space<hbm>>
      %dma_start3A_149 = tpu.memref_squeeze %dma_start3A_148 : memref<1x64x128xf32, #tpu.memory_space<hbm>> -> memref<64x128xf32, #tpu.memory_space<hbm>>
      tpu.enqueue_dma source(%arg8 : memref<64x128xf32, #tpu.memory_space<vmem>>) target(%dma_start3A_149 : memref<64x128xf32, #tpu.memory_space<hbm>>) target_semaphore(%arg18 : memref<!tpu.dma_semaphore, #tpu.memory_space<semaphore_mem>>)
      %dma_wait3A_150 = arith.constant 0 : i32
      %dma_wait3A_151 = arith.constant 0 : i32
      %dma_wait3A_152 = tpu.memref_slice %arg2[%dma_wait3A_150, %dma_wait3A_151] : memref<8192x128xf32, #tpu.memory_space<hbm>> -> memref<64x128xf32, #tpu.memory_space<hbm>>
      %dma_wait3A_153 = arith.constant 0 : i32
      %dma_wait3A_154 = arith.constant 0 : i32
      %dma_wait3A_155 = tpu.memref_slice %arg2[%dma_wait3A_153, %dma_wait3A_154] : memref<8192x128xf32, #tpu.memory_space<hbm>> -> memref<64x128xf32, #tpu.memory_space<hbm>>
      tpu.wait_dma2 semaphore(%arg14 : memref<!tpu.dma_semaphore, #tpu.memory_space<semaphore_mem>>) src(%dma_wait3A_155 : memref<64x128xf32, #tpu.memory_space<hbm>>) dst(%arg9 : memref<64x128xf32, #tpu.memory_space<vmem>>)
      %add3A_156 = arith.addi %mul3A_2, %mul3A_98 : i32
      %add3A_157 = arith.constant 3 : i32
      %add3A_158 = arith.addi %add3A_156, %add3A_157 : i32
      %dma_start3A_159 = arith.constant 0 : i32
      %dma_start3A_160 = arith.constant 0 : i32
      %dma_start3A_161 = tpu.memref_slice %arg4[%add3A_158, %dma_start3A_159, %dma_start3A_160] : memref<3200x64x128xf32, #tpu.memory_space<hbm>> -> memref<1x64x128xf32, #tpu.memory_space<hbm>>
      %dma_start3A_162 = tpu.memref_squeeze %dma_start3A_161 : memref<1x64x128xf32, #tpu.memory_space<hbm>> -> memref<64x128xf32, #tpu.memory_space<hbm>>
      %dma_start3A_163 = arith.constant 0 : i32
      %dma_start3A_164 = arith.constant 0 : i32
      %dma_start3A_165 = tpu.memref_slice %arg4[%add3A_158, %dma_start3A_163, %dma_start3A_164] : memref<3200x64x128xf32, #tpu.memory_space<hbm>> -> memref<1x64x128xf32, #tpu.memory_space<hbm>>
      %dma_start3A_166 = tpu.memref_squeeze %dma_start3A_165 : memref<1x64x128xf32, #tpu.memory_space<hbm>> -> memref<64x128xf32, #tpu.memory_space<hbm>>
      tpu.enqueue_dma source(%arg9 : memref<64x128xf32, #tpu.memory_space<vmem>>) target(%dma_start3A_166 : memref<64x128xf32, #tpu.memory_space<hbm>>) target_semaphore(%arg19 : memref<!tpu.dma_semaphore, #tpu.memory_space<semaphore_mem>>)
      %dma_wait3A_167 = arith.constant 0 : i32
      %dma_wait3A_168 = arith.constant 0 : i32
      %dma_wait3A_169 = tpu.memref_slice %arg2[%dma_wait3A_167, %dma_wait3A_168] : memref<8192x128xf32, #tpu.memory_space<hbm>> -> memref<64x128xf32, #tpu.memory_space<hbm>>
      %dma_wait3A_170 = arith.constant 0 : i32
      %dma_wait3A_171 = arith.constant 0 : i32
      %dma_wait3A_172 = tpu.memref_slice %arg2[%dma_wait3A_170, %dma_wait3A_171] : memref<8192x128xf32, #tpu.memory_space<hbm>> -> memref<64x128xf32, #tpu.memory_space<hbm>>
      tpu.wait_dma2 semaphore(%arg15 : memref<!tpu.dma_semaphore, #tpu.memory_space<semaphore_mem>>) src(%dma_wait3A_172 : memref<64x128xf32, #tpu.memory_space<hbm>>) dst(%arg10 : memref<64x128xf32, #tpu.memory_space<vmem>>)
      %add3A_173 = arith.addi %mul3A_2, %mul3A_98 : i32
      %add3A_174 = arith.constant 4 : i32
      %add3A_175 = arith.addi %add3A_173, %add3A_174 : i32
      %dma_start3A_176 = arith.constant 0 : i32
      %dma_start3A_177 = arith.constant 0 : i32
      %dma_start3A_178 = tpu.memref_slice %arg4[%add3A_175, %dma_start3A_176, %dma_start3A_177] : memref<3200x64x128xf32, #tpu.memory_space<hbm>> -> memref<1x64x128xf32, #tpu.memory_space<hbm>>
      %dma_start3A_179 = tpu.memref_squeeze %dma_start3A_178 : memref<1x64x128xf32, #tpu.memory_space<hbm>> -> memref<64x128xf32, #tpu.memory_space<hbm>>
      %dma_start3A_180 = arith.constant 0 : i32
      %dma_start3A_181 = arith.constant 0 : i32
      %dma_start3A_182 = tpu.memref_slice %arg4[%add3A_175, %dma_start3A_180, %dma_start3A_181] : memref<3200x64x128xf32, #tpu.memory_space<hbm>> -> memref<1x64x128xf32, #tpu.memory_space<hbm>>
      %dma_start3A_183 = tpu.memref_squeeze %dma_start3A_182 : memref<1x64x128xf32, #tpu.memory_space<hbm>> -> memref<64x128xf32, #tpu.memory_space<hbm>>
      tpu.enqueue_dma source(%arg10 : memref<64x128xf32, #tpu.memory_space<vmem>>) target(%dma_start3A_183 : memref<64x128xf32, #tpu.memory_space<hbm>>) target_semaphore(%arg20 : memref<!tpu.dma_semaphore, #tpu.memory_space<semaphore_mem>>)
      %lt3A = arith.constant 19 : i32
      %lt3A_184 = arith.cmpi slt, %add3A_96, %lt3A : i32
      %convert_element_type3A = arith.extui %lt3A_184 : i1 to i32
      %cond3A = arith.constant 0 : i32
      %cond3A_185 = arith.cmpi ne, %convert_element_type3A, %cond3A : i32
      scf.if %cond3A_185 {
        %dma_wait3A_186 = arith.constant 0 : i32
        %dma_wait3A_187 = arith.constant 0 : i32
        %dma_wait3A_188 = tpu.memref_slice %arg4[%mul3A_2, %dma_wait3A_186, %dma_wait3A_187] : memref<3200x64x128xf32, #tpu.memory_space<hbm>> -> memref<1x64x128xf32, #tpu.memory_space<hbm>>
        %dma_wait3A_189 = tpu.memref_squeeze %dma_wait3A_188 : memref<1x64x128xf32, #tpu.memory_space<hbm>> -> memref<64x128xf32, #tpu.memory_space<hbm>>
        %dma_wait3A_190 = arith.constant 0 : i32
        %dma_wait3A_191 = arith.constant 0 : i32
        %dma_wait3A_192 = tpu.memref_slice %arg4[%mul3A_2, %dma_wait3A_190, %dma_wait3A_191] : memref<3200x64x128xf32, #tpu.memory_space<hbm>> -> memref<1x64x128xf32, #tpu.memory_space<hbm>>
        %dma_wait3A_193 = tpu.memref_squeeze %dma_wait3A_192 : memref<1x64x128xf32, #tpu.memory_space<hbm>> -> memref<64x128xf32, #tpu.memory_space<hbm>>
        tpu.wait_dma2 semaphore(%arg16 : memref<!tpu.dma_semaphore, #tpu.memory_space<semaphore_mem>>) src(%arg6 : memref<64x128xf32, #tpu.memory_space<vmem>>) dst(%dma_wait3A_193 : memref<64x128xf32, #tpu.memory_space<hbm>>)
        %add3A_194 = arith.constant 5 : i32
        %add3A_195 = arith.addi %mul3A_98, %add3A_194 : i32
        %add3A_196 = arith.constant 0 : i32
        %add3A_197 = arith.addi %add3A_195, %add3A_196 : i32
        %dma_start3A_198 = arith.constant 0 : i32
        %dma_start3A_199 = tpu.memref_slice %arg5[%add3A_197, %dma_start3A_198] : memref<100x64xi32, #tpu.memory_space<vmem>> -> memref<1x64xi32, #tpu.memory_space<vmem>>
        %dma_start3A_200 = tpu.memref_squeeze %dma_start3A_199 : memref<1x64xi32, #tpu.memory_space<vmem>> -> memref<64xi32, #tpu.memory_space<vmem>>
        %dma_start3A_201 = arith.constant 0 : i32
        %dma_start3A_202 = arith.constant 0 : i32
        %dma_start3A_203 = tpu.memref_slice %arg2[%dma_start3A_201, %dma_start3A_202] : memref<8192x128xf32, #tpu.memory_space<hbm>> -> memref<8192x128xf32, #tpu.memory_space<hbm>>
        tpu.enqueue_indirect_dma source(%dma_start3A_203 : memref<8192x128xf32, #tpu.memory_space<hbm>>) target(%arg6 : memref<64x128xf32, #tpu.memory_space<vmem>>) offsets(%dma_start3A_200 : memref<64xi32, #tpu.memory_space<vmem>>) semaphore(%arg11 : memref<!tpu.dma_semaphore, #tpu.memory_space<semaphore_mem>>)
        %dma_wait3A_204 = arith.constant 0 : i32
        %dma_wait3A_205 = arith.constant 0 : i32
        %dma_wait3A_206 = tpu.memref_slice %arg4[%mul3A_2, %dma_wait3A_204, %dma_wait3A_205] : memref<3200x64x128xf32, #tpu.memory_space<hbm>> -> memref<1x64x128xf32, #tpu.memory_space<hbm>>
        %dma_wait3A_207 = tpu.memref_squeeze %dma_wait3A_206 : memref<1x64x128xf32, #tpu.memory_space<hbm>> -> memref<64x128xf32, #tpu.memory_space<hbm>>
        %dma_wait3A_208 = arith.constant 0 : i32
        %dma_wait3A_209 = arith.constant 0 : i32
        %dma_wait3A_210 = tpu.memref_slice %arg4[%mul3A_2, %dma_wait3A_208, %dma_wait3A_209] : memref<3200x64x128xf32, #tpu.memory_space<hbm>> -> memref<1x64x128xf32, #tpu.memory_space<hbm>>
        %dma_wait3A_211 = tpu.memref_squeeze %dma_wait3A_210 : memref<1x64x128xf32, #tpu.memory_space<hbm>> -> memref<64x128xf32, #tpu.memory_space<hbm>>
        tpu.wait_dma2 semaphore(%arg17 : memref<!tpu.dma_semaphore, #tpu.memory_space<semaphore_mem>>) src(%arg7 : memref<64x128xf32, #tpu.memory_space<vmem>>) dst(%dma_wait3A_211 : memref<64x128xf32, #tpu.memory_space<hbm>>)
        %add3A_212 = arith.constant 5 : i32
        %add3A_213 = arith.addi %mul3A_98, %add3A_212 : i32
        %add3A_214 = arith.constant 1 : i32
        %add3A_215 = arith.addi %add3A_213, %add3A_214 : i32
        %dma_start3A_216 = arith.constant 0 : i32
        %dma_start3A_217 = tpu.memref_slice %arg5[%add3A_215, %dma_start3A_216] : memref<100x64xi32, #tpu.memory_space<vmem>> -> memref<1x64xi32, #tpu.memory_space<vmem>>
        %dma_start3A_218 = tpu.memref_squeeze %dma_start3A_217 : memref<1x64xi32, #tpu.memory_space<vmem>> -> memref<64xi32, #tpu.memory_space<vmem>>
        %dma_start3A_219 = arith.constant 0 : i32
        %dma_start3A_220 = arith.constant 0 : i32
        %dma_start3A_221 = tpu.memref_slice %arg22[%dma_start3A_219, %dma_start3A_220] : memref<8192x128xf32, #tpu.memory_space<vmem_shared>> -> memref<8192x128xf32, #tpu.memory_space<vmem_shared>>
        tpu.enqueue_indirect_dma source(%dma_start3A_221 : memref<8192x128xf32, #tpu.memory_space<vmem_shared>>) target(%arg7 : memref<64x128xf32, #tpu.memory_space<vmem>>) offsets(%dma_start3A_218 : memref<64xi32, #tpu.memory_space<vmem>>) semaphore(%arg12 : memref<!tpu.dma_semaphore, #tpu.memory_space<semaphore_mem>>)
        %dma_wait3A_222 = arith.constant 0 : i32
        %dma_wait3A_223 = arith.constant 0 : i32
        %dma_wait3A_224 = tpu.memref_slice %arg4[%mul3A_2, %dma_wait3A_222, %dma_wait3A_223] : memref<3200x64x128xf32, #tpu.memory_space<hbm>> -> memref<1x64x128xf32, #tpu.memory_space<hbm>>
        %dma_wait3A_225 = tpu.memref_squeeze %dma_wait3A_224 : memref<1x64x128xf32, #tpu.memory_space<hbm>> -> memref<64x128xf32, #tpu.memory_space<hbm>>
        %dma_wait3A_226 = arith.constant 0 : i32
        %dma_wait3A_227 = arith.constant 0 : i32
        %dma_wait3A_228 = tpu.memref_slice %arg4[%mul3A_2, %dma_wait3A_226, %dma_wait3A_227] : memref<3200x64x128xf32, #tpu.memory_space<hbm>> -> memref<1x64x128xf32, #tpu.memory_space<hbm>>
        %dma_wait3A_229 = tpu.memref_squeeze %dma_wait3A_228 : memref<1x64x128xf32, #tpu.memory_space<hbm>> -> memref<64x128xf32, #tpu.memory_space<hbm>>
        tpu.wait_dma2 semaphore(%arg18 : memref<!tpu.dma_semaphore, #tpu.memory_space<semaphore_mem>>) src(%arg8 : memref<64x128xf32, #tpu.memory_space<vmem>>) dst(%dma_wait3A_229 : memref<64x128xf32, #tpu.memory_space<hbm>>)
        %add3A_230 = arith.constant 5 : i32
        %add3A_231 = arith.addi %mul3A_98, %add3A_230 : i32
        %add3A_232 = arith.constant 2 : i32
        %add3A_233 = arith.addi %add3A_231, %add3A_232 : i32
        %dma_start3A_234 = arith.constant 0 : i32
        %dma_start3A_235 = tpu.memref_slice %arg5[%add3A_233, %dma_start3A_234] : memref<100x64xi32, #tpu.memory_space<vmem>> -> memref<1x64xi32, #tpu.memory_space<vmem>>
        %dma_start3A_236 = tpu.memref_squeeze %dma_start3A_235 : memref<1x64xi32, #tpu.memory_space<vmem>> -> memref<64xi32, #tpu.memory_space<vmem>>
        %dma_start3A_237 = arith.constant 0 : i32
        %dma_start3A_238 = arith.constant 0 : i32
        %dma_start3A_239 = tpu.memref_slice %arg22[%dma_start3A_237, %dma_start3A_238] : memref<8192x128xf32, #tpu.memory_space<vmem_shared>> -> memref<8192x128xf32, #tpu.memory_space<vmem_shared>>
        tpu.enqueue_indirect_dma source(%dma_start3A_239 : memref<8192x128xf32, #tpu.memory_space<vmem_shared>>) target(%arg8 : memref<64x128xf32, #tpu.memory_space<vmem>>) offsets(%dma_start3A_236 : memref<64xi32, #tpu.memory_space<vmem>>) semaphore(%arg13 : memref<!tpu.dma_semaphore, #tpu.memory_space<semaphore_mem>>)
        %dma_wait3A_240 = arith.constant 0 : i32
        %dma_wait3A_241 = arith.constant 0 : i32
        %dma_wait3A_242 = tpu.memref_slice %arg4[%mul3A_2, %dma_wait3A_240, %dma_wait3A_241] : memref<3200x64x128xf32, #tpu.memory_space<hbm>> -> memref<1x64x128xf32, #tpu.memory_space<hbm>>
        %dma_wait3A_243 = tpu.memref_squeeze %dma_wait3A_242 : memref<1x64x128xf32, #tpu.memory_space<hbm>> -> memref<64x128xf32, #tpu.memory_space<hbm>>
        %dma_wait3A_244 = arith.constant 0 : i32
        %dma_wait3A_245 = arith.constant 0 : i32
        %dma_wait3A_246 = tpu.memref_slice %arg4[%mul3A_2, %dma_wait3A_244, %dma_wait3A_245] : memref<3200x64x128xf32, #tpu.memory_space<hbm>> -> memref<1x64x128xf32, #tpu.memory_space<hbm>>
        %dma_wait3A_247 = tpu.memref_squeeze %dma_wait3A_246 : memref<1x64x128xf32, #tpu.memory_space<hbm>> -> memref<64x128xf32, #tpu.memory_space<hbm>>
        tpu.wait_dma2 semaphore(%arg19 : memref<!tpu.dma_semaphore, #tpu.memory_space<semaphore_mem>>) src(%arg9 : memref<64x128xf32, #tpu.memory_space<vmem>>) dst(%dma_wait3A_247 : memref<64x128xf32, #tpu.memory_space<hbm>>)
        %add3A_248 = arith.constant 5 : i32
        %add3A_249 = arith.addi %mul3A_98, %add3A_248 : i32
        %add3A_250 = arith.constant 3 : i32
        %add3A_251 = arith.addi %add3A_249, %add3A_250 : i32
        %dma_start3A_252 = arith.constant 0 : i32
        %dma_start3A_253 = tpu.memref_slice %arg5[%add3A_251, %dma_start3A_252] : memref<100x64xi32, #tpu.memory_space<vmem>> -> memref<1x64xi32, #tpu.memory_space<vmem>>
        %dma_start3A_254 = tpu.memref_squeeze %dma_start3A_253 : memref<1x64xi32, #tpu.memory_space<vmem>> -> memref<64xi32, #tpu.memory_space<vmem>>
        %dma_start3A_255 = arith.constant 0 : i32
        %dma_start3A_256 = arith.constant 0 : i32
        %dma_start3A_257 = tpu.memref_slice %arg22[%dma_start3A_255, %dma_start3A_256] : memref<8192x128xf32, #tpu.memory_space<vmem_shared>> -> memref<8192x128xf32, #tpu.memory_space<vmem_shared>>
        tpu.enqueue_indirect_dma source(%dma_start3A_257 : memref<8192x128xf32, #tpu.memory_space<vmem_shared>>) target(%arg9 : memref<64x128xf32, #tpu.memory_space<vmem>>) offsets(%dma_start3A_254 : memref<64xi32, #tpu.memory_space<vmem>>) semaphore(%arg14 : memref<!tpu.dma_semaphore, #tpu.memory_space<semaphore_mem>>)
        %dma_wait3A_258 = arith.constant 0 : i32
        %dma_wait3A_259 = arith.constant 0 : i32
        %dma_wait3A_260 = tpu.memref_slice %arg4[%mul3A_2, %dma_wait3A_258, %dma_wait3A_259] : memref<3200x64x128xf32, #tpu.memory_space<hbm>> -> memref<1x64x128xf32, #tpu.memory_space<hbm>>
        %dma_wait3A_261 = tpu.memref_squeeze %dma_wait3A_260 : memref<1x64x128xf32, #tpu.memory_space<hbm>> -> memref<64x128xf32, #tpu.memory_space<hbm>>
        %dma_wait3A_262 = arith.constant 0 : i32
        %dma_wait3A_263 = arith.constant 0 : i32
        %dma_wait3A_264 = tpu.memref_slice %arg4[%mul3A_2, %dma_wait3A_262, %dma_wait3A_263] : memref<3200x64x128xf32, #tpu.memory_space<hbm>> -> memref<1x64x128xf32, #tpu.memory_space<hbm>>
        %dma_wait3A_265 = tpu.memref_squeeze %dma_wait3A_264 : memref<1x64x128xf32, #tpu.memory_space<hbm>> -> memref<64x128xf32, #tpu.memory_space<hbm>>
        tpu.wait_dma2 semaphore(%arg20 : memref<!tpu.dma_semaphore, #tpu.memory_space<semaphore_mem>>) src(%arg10 : memref<64x128xf32, #tpu.memory_space<vmem>>) dst(%dma_wait3A_265 : memref<64x128xf32, #tpu.memory_space<hbm>>)
        %add3A_266 = arith.constant 5 : i32
        %add3A_267 = arith.addi %mul3A_98, %add3A_266 : i32
        %add3A_268 = arith.constant 4 : i32
        %add3A_269 = arith.addi %add3A_267, %add3A_268 : i32
        %dma_start3A_270 = arith.constant 0 : i32
        %dma_start3A_271 = tpu.memref_slice %arg5[%add3A_269, %dma_start3A_270] : memref<100x64xi32, #tpu.memory_space<vmem>> -> memref<1x64xi32, #tpu.memory_space<vmem>>
        %dma_start3A_272 = tpu.memref_squeeze %dma_start3A_271 : memref<1x64xi32, #tpu.memory_space<vmem>> -> memref<64xi32, #tpu.memory_space<vmem>>
        %dma_start3A_273 = arith.constant 0 : i32
        %dma_start3A_274 = arith.constant 0 : i32
        %dma_start3A_275 = tpu.memref_slice %arg22[%dma_start3A_273, %dma_start3A_274] : memref<8192x128xf32, #tpu.memory_space<vmem_shared>> -> memref<8192x128xf32, #tpu.memory_space<vmem_shared>>
        tpu.enqueue_indirect_dma source(%dma_start3A_275 : memref<8192x128xf32, #tpu.memory_space<vmem_shared>>) target(%arg10 : memref<64x128xf32, #tpu.memory_space<vmem>>) offsets(%dma_start3A_272 : memref<64xi32, #tpu.memory_space<vmem>>) semaphore(%arg15 : memref<!tpu.dma_semaphore, #tpu.memory_space<semaphore_mem>>)
      } else {
      }
    }
    %scan3A_51 = arith.constant 20 : i32
    %dma_wait3A_52 = arith.constant 0 : i32
    %dma_wait3A_53 = arith.constant 0 : i32
    %dma_wait3A_54 = tpu.memref_slice %arg4[%mul3A_2, %dma_wait3A_52, %dma_wait3A_53] : memref<3200x64x128xf32, #tpu.memory_space<hbm>> -> memref<1x64x128xf32, #tpu.memory_space<hbm>>
    %dma_wait3A_55 = tpu.memref_squeeze %dma_wait3A_54 : memref<1x64x128xf32, #tpu.memory_space<hbm>> -> memref<64x128xf32, #tpu.memory_space<hbm>>
    %dma_wait3A_56 = arith.constant 0 : i32
    %dma_wait3A_57 = arith.constant 0 : i32
    %dma_wait3A_58 = tpu.memref_slice %arg4[%mul3A_2, %dma_wait3A_56, %dma_wait3A_57] : memref<3200x64x128xf32, #tpu.memory_space<hbm>> -> memref<1x64x128xf32, #tpu.memory_space<hbm>>
    %dma_wait3A_59 = tpu.memref_squeeze %dma_wait3A_58 : memref<1x64x128xf32, #tpu.memory_space<hbm>> -> memref<64x128xf32, #tpu.memory_space<hbm>>
    tpu.wait_dma2 semaphore(%arg16 : memref<!tpu.dma_semaphore, #tpu.memory_space<semaphore_mem>>) src(%arg6 : memref<64x128xf32, #tpu.memory_space<vmem>>) dst(%dma_wait3A_59 : memref<64x128xf32, #tpu.memory_space<hbm>>)
    %dma_wait3A_60 = arith.constant 0 : i32
    %dma_wait3A_61 = arith.constant 0 : i32
    %dma_wait3A_62 = tpu.memref_slice %arg4[%mul3A_2, %dma_wait3A_60, %dma_wait3A_61] : memref<3200x64x128xf32, #tpu.memory_space<hbm>> -> memref<1x64x128xf32, #tpu.memory_space<hbm>>
    %dma_wait3A_63 = tpu.memref_squeeze %dma_wait3A_62 : memref<1x64x128xf32, #tpu.memory_space<hbm>> -> memref<64x128xf32, #tpu.memory_space<hbm>>
    %dma_wait3A_64 = arith.constant 0 : i32
    %dma_wait3A_65 = arith.constant 0 : i32
    %dma_wait3A_66 = tpu.memref_slice %arg4[%mul3A_2, %dma_wait3A_64, %dma_wait3A_65] : memref<3200x64x128xf32, #tpu.memory_space<hbm>> -> memref<1x64x128xf32, #tpu.memory_space<hbm>>
    %dma_wait3A_67 = tpu.memref_squeeze %dma_wait3A_66 : memref<1x64x128xf32, #tpu.memory_space<hbm>> -> memref<64x128xf32, #tpu.memory_space<hbm>>
    tpu.wait_dma2 semaphore(%arg17 : memref<!tpu.dma_semaphore, #tpu.memory_space<semaphore_mem>>) src(%arg7 : memref<64x128xf32, #tpu.memory_space<vmem>>) dst(%dma_wait3A_67 : memref<64x128xf32, #tpu.memory_space<hbm>>)
    %dma_wait3A_68 = arith.constant 0 : i32
    %dma_wait3A_69 = arith.constant 0 : i32
    %dma_wait3A_70 = tpu.memref_slice %arg4[%mul3A_2, %dma_wait3A_68, %dma_wait3A_69] : memref<3200x64x128xf32, #tpu.memory_space<hbm>> -> memref<1x64x128xf32, #tpu.memory_space<hbm>>
    %dma_wait3A_71 = tpu.memref_squeeze %dma_wait3A_70 : memref<1x64x128xf32, #tpu.memory_space<hbm>> -> memref<64x128xf32, #tpu.memory_space<hbm>>
    %dma_wait3A_72 = arith.constant 0 : i32
    %dma_wait3A_73 = arith.constant 0 : i32
    %dma_wait3A_74 = tpu.memref_slice %arg4[%mul3A_2, %dma_wait3A_72, %dma_wait3A_73] : memref<3200x64x128xf32, #tpu.memory_space<hbm>> -> memref<1x64x128xf32, #tpu.memory_space<hbm>>
    %dma_wait3A_75 = tpu.memref_squeeze %dma_wait3A_74 : memref<1x64x128xf32, #tpu.memory_space<hbm>> -> memref<64x128xf32, #tpu.memory_space<hbm>>
    tpu.wait_dma2 semaphore(%arg18 : memref<!tpu.dma_semaphore, #tpu.memory_space<semaphore_mem>>) src(%arg8 : memref<64x128xf32, #tpu.memory_space<vmem>>) dst(%dma_wait3A_75 : memref<64x128xf32, #tpu.memory_space<hbm>>)
    %dma_wait3A_76 = arith.constant 0 : i32
    %dma_wait3A_77 = arith.constant 0 : i32
    %dma_wait3A_78 = tpu.memref_slice %arg4[%mul3A_2, %dma_wait3A_76, %dma_wait3A_77] : memref<3200x64x128xf32, #tpu.memory_space<hbm>> -> memref<1x64x128xf32, #tpu.memory_space<hbm>>
    %dma_wait3A_79 = tpu.memref_squeeze %dma_wait3A_78 : memref<1x64x128xf32, #tpu.memory_space<hbm>> -> memref<64x128xf32, #tpu.memory_space<hbm>>
    %dma_wait3A_80 = arith.constant 0 : i32
    %dma_wait3A_81 = arith.constant 0 : i32
    %dma_wait3A_82 = tpu.memref_slice %arg4[%mul3A_2, %dma_wait3A_80, %dma_wait3A_81] : memref<3200x64x128xf32, #tpu.memory_space<hbm>> -> memref<1x64x128xf32, #tpu.memory_space<hbm>>
    %dma_wait3A_83 = tpu.memref_squeeze %dma_wait3A_82 : memref<1x64x128xf32, #tpu.memory_space<hbm>> -> memref<64x128xf32, #tpu.memory_space<hbm>>
    tpu.wait_dma2 semaphore(%arg19 : memref<!tpu.dma_semaphore, #tpu.memory_space<semaphore_mem>>) src(%arg9 : memref<64x128xf32, #tpu.memory_space<vmem>>) dst(%dma_wait3A_83 : memref<64x128xf32, #tpu.memory_space<hbm>>)
    %dma_wait3A_84 = arith.constant 0 : i32
    %dma_wait3A_85 = arith.constant 0 : i32
    %dma_wait3A_86 = tpu.memref_slice %arg4[%mul3A_2, %dma_wait3A_84, %dma_wait3A_85] : memref<3200x64x128xf32, #tpu.memory_space<hbm>> -> memref<1x64x128xf32, #tpu.memory_space<hbm>>
    %dma_wait3A_87 = tpu.memref_squeeze %dma_wait3A_86 : memref<1x64x128xf32, #tpu.memory_space<hbm>> -> memref<64x128xf32, #tpu.memory_space<hbm>>
    %dma_wait3A_88 = arith.constant 0 : i32
    %dma_wait3A_89 = arith.constant 0 : i32
    %dma_wait3A_90 = tpu.memref_slice %arg4[%mul3A_2, %dma_wait3A_88, %dma_wait3A_89] : memref<3200x64x128xf32, #tpu.memory_space<hbm>> -> memref<1x64x128xf32, #tpu.memory_space<hbm>>
    %dma_wait3A_91 = tpu.memref_squeeze %dma_wait3A_90 : memref<1x64x128xf32, #tpu.memory_space<hbm>> -> memref<64x128xf32, #tpu.memory_space<hbm>>
    tpu.wait_dma2 semaphore(%arg20 : memref<!tpu.dma_semaphore, #tpu.memory_space<semaphore_mem>>) src(%arg10 : memref<64x128xf32, #tpu.memory_space<vmem>>) dst(%dma_wait3A_91 : memref<64x128xf32, #tpu.memory_space<hbm>>)
    return
  }
}

</mosaic_0001>

<sc_bundles>
// kernel: kernel.3.cloned.1.call-start
scs
__scs_entry_jumppad:
0x0: {  	(pc) =	sbr.rel $0x88, $3  }
0x1: {  	(tag) =	ssettag $0x0;
	lr =	simm.s32 $0x1  }
0x2: {  	[smem:$0x3F9F] =	sst lr;
	_ =	strace $0xD0000000  }
0x3: {  	_ = 	snop  }
0x4: {  	_ = 	snop  }
0x5: {  	_ = 	snop  }
0x6: {  	_ = 	snop  }
0x7: {  	_ = 	snop  }
__scs_overlays_trampoline_lowered:
0x8: {  	[smem:$0x3FAE] =	sst s0  }
0x9: {  	[smem:$0x3FAF] =	sst s1  }
0xa: {  	[smem:$0x3FB0] =	sst s2  }
0xb: {  	[smem:$0x3FB1] =	sst s3  }
0xc: {  	[smem:$0x3FB2] =	sst s4  }
0xd: {  	[smem:$0x3FB3] =	sst s5  }
0xe: {  	[smem:$0x3FB4] =	sst s6  }
0xf: {  	[smem:$0x3FB5] =	sst s7  }
0x10: {  	[smem:$0x3FB6] =	sst s8  }
0x11: {  	[smem:$0x3FB7] =	sst s9;
	s0 =	simm.s32 @!p0 $0x0  }
0x12: {  	s1 =	sld [smem:$0x3F9D];
	s0 =	simm.s32 @p0 $0x1  }
0x13: {  	[smem:$0x3FB8] =	sst s0;
	s0 =	simm.s32 @!p1 $0x0  }
0x14: {  	s2 =	sld [smem:$0x3F9C];
	s0 =	simm.s32 @p1 $0x1  }
0x15: {  	[smem:$0x3FB9] =	sst s0;
	s0 =	simm.s32 @!p2 $0x0  }
0x16: {  	s3 =	sld [smem:$0x3FDB];
	s0 =	simm.s32 @p2 $0x1  }
0x17: {  	s4 =	simm.s32 $0x1BF5;
	[smem:$0x3FBB] =	sst s0  }
0x18: {  	s0 =	sld [smem:$0x3F9E];
	_ =	swait.ge [sflag:s4], $0x0  }
0x19: {  	s7 =	sld [smem:$0x3F9F]  }
0x1a: {  	s8 =	sadd.s32 $0xFFFFE003, lr  }
0x1b: {  	s9 =	sadd.s32 $0xFFFFFEF7, lr;
	s5 =	simm.s32 $0xFFFFFFFF;
	p2 =	slt.u32 s8, $0xFFFFF086  }
0x1c: {  	p1 =	slt.u32 s9, $0xF7A;
	s5 =	simm.s32 @!p2 $0x0  }
0x1d: {  	s5 =	simm.s32 @p1 $0x1;
	p0 =	seq.s32 s7, s2  }
0x1e: {  	s7 =	smul.u32 @!p0 $0xF7A, s2;
	p2 =	seq.s32 @!p0 s5, $0x0  }
0x1f: {  	s9 =	smul.u32 $0xF7A, s1;
	s8 =	simm.s32 @!p0 $0x1BF5;
	p2 =	por !p2, p0  }
0x20: {  	[sflag:s8] =	ssyncset.s32 @!p0 $0xFFFFF086;
	s6 =	sadd.s32 @!p0 s3, s7;
	s7 =	simm.s32 @!p0 $0x108  }
0x21: {  	s3 =	sadd.s32 s3, s9;
	s6 =	sadd.s32 @!p0 $0x88, s6;
	s7 =	simm.s32 @p2 $0x1082  }
0x22: {  	[simem:s7], [sflag:s8] =	dma.local @!p0 [hbm:s6], $0xF7A  }
0x23: {  	s9 =	sor.u32 $0xD0000000, s2;
	s6 =	simm.s32 $0x108;
	_ =	swait.ge @!p0 [sflag:s8], $0x0  }
0x24: {  	s3 =	sadd.s32 $0x88, s3;
	s6 =	simm.s32 @!p1 $0x1082;
	[sflag:s4] =	ssyncset.s32 $0xFFFFF086  }
0x25: {  	[simem:s6], [sflag:s4] =	dma.local [hbm:s3], $0xF7A  }
0x26: {  	[smem:$0x3F9F] =	sst s1;
	(tag) =	ssettag s2;
	_ =	strace s9  }
0x27: {  	s1 =	sld [smem:$0x3FAF]  }
0x28: {  	s2 =	sld [smem:$0x3FB0]  }
0x29: {  	s4 =	sld [smem:$0x3FB2]  }
0x2a: {  	p0 =	seq.s32 s5, $0x0;
	s5 =	sld [smem:$0x3FB3]  }
0x2b: {  	s6 =	sld [smem:$0x3FB4]  }
0x2c: {  	s7 =	sld [smem:$0x3FB5]  }
0x2d: {  	s3 =	simm.s32 $0x108;
	s8 =	sld [smem:$0x3FB6]  }
0x2e: {  	s3 =	simm.s32 @!p0 $0x1082;
	s9 =	sld [smem:$0x3FB7]  }
0x2f: {  	lr =	sadd.s32 s0, s3;
	s0 =	sld [smem:$0x3FAE]  }
0x30: {  	s3 =	sld [smem:$0x3FB1]  }
0x31: {  	[smem:$0x3FBA] =	sst s10  }
0x32: {  	s10 =	sld [smem:$0x3FB8];
	_ =	sdelay $0x3  }
0x33: {  	p0 =	seq.s32 s10, $0x1;
	s10 =	sld [smem:$0x3FBA];
	_ =	sdelay $0x3  }
0x34: {  	[smem:$0x3FBA] =	sst s10  }
0x35: {  	s10 =	sld [smem:$0x3FB9];
	_ =	sdelay $0x3  }
0x36: {  	p1 =	seq.s32 s10, $0x1;
	s10 =	sld [smem:$0x3FBA];
	_ =	sdelay $0x3  }
0x37: {  	[smem:$0x3FBA] =	sst s10  }
0x38: {  	s10 =	sld [smem:$0x3FBB]  }
0x39: {  	_ = 	snop;
	(pc) =	sbr.ind lr, $3  }
0x3a: {  	_ = 	snop  }
0x3b: {  	_ = 	snop  }
0x3c: {  	p2 =	seq.s32 s10, $0x1;
	s10 =	sld [smem:$0x3FBA]  }
0x3d: {  	_ =	shalt  }
0x3e: {  	_ =	shalt  }
0x3f: {  	_ =	shalt  }
0x40: {  	_ =	shalt  }
0x41: {  	_ =	shalt  }
0x42: {  	_ =	shalt  }
0x43: {  	_ =	shalt  }
0x44: {  	_ =	shalt  }
0x45: {  	_ =	shalt  }
0x46: {  	_ =	shalt  }
0x47: {  	_ =	shalt  }
0x48: {  	_ =	shalt  }
0x49: {  	_ =	shalt  }
0x4a: {  	_ =	shalt  }
0x4b: {  	_ =	shalt  }
0x4c: {  	_ =	shalt  }
0x4d: {  	_ =	shalt  }
0x4e: {  	_ =	shalt  }
0x4f: {  	_ =	shalt  }
0x50: {  	_ =	shalt  }
0x51: {  	_ =	shalt  }
0x52: {  	_ =	shalt  }
0x53: {  	_ =	shalt  }
0x54: {  	_ =	shalt  }
0x55: {  	_ =	shalt  }
0x56: {  	_ =	shalt  }
0x57: {  	_ =	shalt  }
0x58: {  	_ =	shalt  }
0x59: {  	_ =	shalt  }
0x5a: {  	_ =	shalt  }
0x5b: {  	_ =	shalt  }
0x5c: {  	_ =	shalt  }
0x5d: {  	_ =	shalt  }
0x5e: {  	_ =	shalt  }
0x5f: {  	_ =	shalt  }
0x60: {  	_ =	shalt  }
0x61: {  	_ =	shalt  }
0x62: {  	_ =	shalt  }
0x63: {  	_ =	shalt  }
0x64: {  	_ =	shalt  }
0x65: {  	_ =	shalt  }
0x66: {  	_ =	shalt  }
0x67: {  	_ =	shalt  }
0x68: {  	_ =	shalt  }
0x69: {  	_ =	shalt  }
0x6a: {  	_ =	shalt  }
0x6b: {  	_ =	shalt  }
0x6c: {  	_ =	shalt  }
0x6d: {  	_ =	shalt  }
0x6e: {  	_ =	shalt  }
0x6f: {  	_ =	shalt  }
0x70: {  	_ =	shalt  }
0x71: {  	_ =	shalt  }
0x72: {  	_ =	shalt  }
0x73: {  	_ =	shalt  }
0x74: {  	_ =	shalt  }
0x75: {  	_ =	shalt  }
0x76: {  	_ =	shalt  }
0x77: {  	_ =	shalt  }
0x78: {  	_ =	shalt  }
0x79: {  	_ =	shalt  }
0x7a: {  	_ =	shalt  }
0x7b: {  	_ =	shalt  }
0x7c: {  	_ =	shalt  }
0x7d: {  	_ =	shalt  }
0x7e: {  	_ =	shalt  }
0x7f: {  	_ =	shalt  }
0x80: {  	_ =	shalt  }
0x81: {  	_ =	shalt  }
0x82: {  	_ =	shalt  }
0x83: {  	_ =	shalt  }
0x84: {  	_ =	shalt  }
0x85: {  	_ =	shalt  }
0x86: {  	_ =	shalt  }
0x87: {  	_ =	shalt  }
.Lfunc_end0:
.L_simem_size_0:
called_computation_lowered:
.L_overlay_start_0:
0x88: {  	s2 =	sld [smem:$0x3FD9]  }
0x89: {  	s3 =	sld [smem:$0x3FFE];
	_ =	sdelay $0x1  }
0x8a: {  	s1 =	srdreg.scid  }
0x8b: {  	s0 =	sand.u32 $0x1, s1  }
0x8c: {  	s17 =	sshll.u32 s0, $0xA;
	s2 =	sadd.s32 s3, s2  }
0x8d: {  	s2 =	sadd.s32 s2, s17  }
0x8e: {  	[smem:$0x3FC6] =	sst s2  }
0x8f: {  	_ = 	snop  }
0x90: {  	s2 =	sld [smem:$0x3FC8]  }
0x91: {  	s18 =	sld [smem:$0x3FD0];
	(tm) =	ssettm $0x1  }
0x92: {  	s4 =	sld [smem:$0x3FFB];
	_ =	sdelay $0x3  }
0x93: {  	_ =	strace s4  }
0x94: {  	s4 =	sld [smem:$0x3FFC];
	_ =	sdelay $0x3  }
0x95: {  	_ =	strace s4  }
0x96: {  	s4 =	sld [smem:$0x3FFD];
	_ =	sdelay $0x3  }
0x97: {  	_ =	strace s4  }
0x98: {  	_ =	strace $0x8FFFFFFF  }
0x99: {  	s19 =	sld [smem:$0x3FDB];
	_ =	sdelay $0x1  }
0x9a: {  	s5 =	simm.s32 $_scs_section_size  }
0x9b: {  	s6 =	simm.s32 $_size__tile_overlayer_lowered;
	s7 =	simm.s32 $_tile_overlayer_lowered  }
0x9c: {  	s22 =	simm.s32 $0x1BFF;
	s21 =	sshll.u32 s7, $0x1;
	s4 =	sadd.s32 s5, s19  }
0x9d: {  	s8 =	simm.s32 $0x0;
	s20 =	sshll.u32 s6, $0x1;
	s6 =	sadd.s32 s21, s4  }
0x9e: {  	[timem:s8], [sflag:s22] =	dma.local [hbm:s6], s20  }
0x9f: {  	_ =	swait.ge [sflag:s22], s20  }
0xa0: {  	s5 =	ssub.s32 $0x0, s20;
	[sflag:s22] =	ssyncset.done $0x0  }
0xa1: {  	[sflag:s22] =	ssyncadd.s32 s5;
	_ =	sdelay $0x1  }
0xa2: {  	s23 =	simm.s32 $0x1B8B  }
0xa3: {  	_ =	swait.ge [sflag:s23], $0x1  }
0xa4: {  	[sflag:s23] =	ssyncset.done $0x0  }
0xa5: {  	s25 =	simm.s32 $0x1B8E;
	s24 =	sld [smem:$0x3FFE];
	[sflag:s23] =	ssyncadd.s32 $0xFFFFFFFF  }
0xa6: {  	s26 =	simm.s32 $execute0_lowered;
	[smem:$0x3FD2] =	sst s25  }
0xa7: {  	s6 =	sshll.u32 s26, $0x1;
	_ =	strace $0x80000046;
	[dreg:$0x1] =	wrdreg $0xFFFFFFFF  }
0xa8: {  	s28 =	simm.s32 $_size_execute0_lowered;
	s4 =	sadd.s32 s4, s6;
	[dreg:$0x0] =	wrdreg $0x0  }
0xa9: {  	s6 =	sshll.u32 s28, $0x1;
	[dreg:$0x2] =	wrdreg s4  }
0xaa: {  	[dreg:$0x3] =	wrdreg s6  }
0xab: {  	[dreg:$0x4] =	wrdreg $0xC0  }
0xac: {  	_ =	task [dreg:s8], $0x5FFFF  }
0xad: {  	[dreg:$0x1] =	wrdreg $0xFFFFFFFF  }
0xae: {  	[dreg:$0x0] =	wrdreg $0x60  }
0xaf: {  	[dreg:$0x2] =	wrdreg s2  }
0xb0: {  	[dreg:$0x3] =	wrdreg s24  }
0xb1: {  	[dreg:$0x4] =	wrdreg s18  }
0xb2: {  	[dreg:$0x5] =	wrdreg $0xD4000  }
0xb3: {  	[dreg:$0x6] =	wrdreg $0x9  }
0xb4: {  	_ =	task.clear_ibuf [dreg:s8], $0x7FFFF;
	_ =	strace $0x90000046  }
0xb5: {  	s29 =	simm.s32 $0x9;
	_ =	strace $0x80000048  }
0xb6: {  	_ =	swait.ge [sflag:s29], $0x1  }
0xb7: {  	[sflag:s29] =	ssyncadd.s32 $0xFFFFFFFF  }
0xb8: {  	_ =	strace $0x90000048  }
0xb9: {  	_ =	sfence  }
0xba: {  	s30 =	sld [smem:$0x0];
	_ =	sdelay $0x2  }
0xbb: {  	s31 =	sshll.u32 s1, $0xD;
	s1 =	sshrl.u32 s1, $0x2  }
0xbc: {  	s3 =	sand.u32 $0x4000, s31;
	s1 =	sadd.s32 s1, s30  }
0xbd: {  	s0 =	sor.u32 s3, s0;
	s1 =	sshll.u32 s1, $0x11  }
0xbe: {  	s0 =	sor.u32 s1, s0  }
0xbf: {  	s0 =	sadd.s32 $0x8F2B, s0  }
0xc0: {  	[sflag:s0] =	ssyncadd.remote.s32 $0x1  }
0xc1: {  	_ =	sfence.sel $0xFFFF  }
0xc2: {  	[dreg:$0x0] =	wrdreg $0xFFFFFFFF;
	(pc) =	sbr.abs _section_cstart, $3  }
0xc3: {  	[dreg:$0x1] =	wrdreg $0xFFFFFFFF  }
0xc4: {  	_ =	task.clear_ibuf [dreg:s8], $0x2FFFF;
	_ =	strace $0x9FFFFFFF  }
0xc5: {  	(tm) =	ssettm $0x7FFFFFFF  }
tec
execute0_lowered:
.L_overlay_start_1:
0x0: {  	(tag) =	ssettag $0x1  }
0x1: {  	s1 =	rddreg [dreg:$0x0]  }
0x2: {  	s0 =	rddreg [dreg:$0x1]  }
0x3: {  	s2 =	rddreg [dreg:$0x2];
	s4 =	srdreg.scid  }
0x4: {  	s11 =	stileid.u32;
	s3 =	rddreg [dreg:$0x3]  }
0x5: {  	s15 =	simm.s32 $0xC;
	s16 =	simm.s32 $0x40;
	s28 =	simm.s32 $0x1  }
0x6: {  	s29 =	simm.s32 $0x2;
	s30 =	simm.s32 $0x3;
	s31 =	simm.s32 $0x4  }
0x7: {  	s5 =	sand.u32 $0x1, s4;
	s6 =	sshll.u32 s11, $0x1;
	s4 =	simm.s32 $0x0  }
0x8: {  	s10 =	sshll.u32 s11, $0x10;
	s19 =	sshll.u32 s11, $0xD;
	s20 =	sshll.u32 s11, $0x6  }
0x9: {  	s22 =	smul.u32 $0x32000, s11;
	s6 =	sor.u32 s5, s6;
	[smem:$0x7FF] =	sst s4  }
0xa: {  	s8 =	ssub.s32 $0x2, s5;
	s18 =	sadd.s32 s10, s3;
	s5 =	smul.u32 $0x19000, s5  }
0xb: {  	s21 =	sor.u32 $0x1C0B, s20;
	s20 =	simm.s32 $0x8;
	s7 =	smul.u32 $0x680, s6  }
0xc: {  	_ =	strace $0x80000047;
	s9 =	sshrl.u32 s8, $0x1;
	s6 =	smul.u32 $0x19000, s6  }
0xd: {  	[dreg:$0x7] =	wrdreg s21;
	s14 =	sshrl.u32 s18, $0x3;
	s21 =	simm.s32 $0x7400  }
0xe: {  	s18 =	simm.s32 $0x7;
	s17 =	ssub.s32 s8, s9;
	s9 =	sadd.s32 s1, s19  }
0xf: {  	s19 =	simm.s32 $0x5400;
	s0 =	sadd.s32 s7, s0;
	[dreg:$0x6] =	wrdreg s9  }
0x10: {  	s23 =	sadd.s32 s2, s6;
	s24 =	smax.u32 s17, $0x1;
	s2 =	sadd.s32 s22, s2  }
0x11: {  	s17 =	simm.s32 $0x3400;
	s22 =	simm.s32 $0x9;
	s0 =	sadd.s32 $0x400, s0  }
0x12: {  	[dreg:$0x9] =	wrdreg s24;
	s25 =	sadd.s32 $0x17C00, s23;
	s26 =	sadd.s32 $0x18000, s23  }
0x13: {  	s11 =	sadd.s32 $0x18400, s23;
	s2 =	sadd.s32 s5, s2;
	[dreg:$0x8] =	wrdreg s0  }
0x14: {  	s12 =	sadd.s32 $0x18800, s23;
	s13 =	sadd.s32 $0x18C00, s23;
	[dreg:$0xa] =	wrdreg s25  }
0x15: {  	s23 =	simm.s32 $0x9400;
	s24 =	simm.s32 $0xA;
	[dreg:$0xb] =	wrdreg s26  }
0x16: {  	s5 =	simm.s32 $0x0;
	[dreg:$0x5] =	wrdreg s2;
	s25 =	simm.s32 $0xB400  }
0x17: {  	s26 =	simm.s32 $0xB;
	s2 =	simm.s32 $0x5;
	s0 =	simm.s32 $0x6  }
.LBB2_1:
0x18: {  	s6 =	rddreg [dreg:$0x6]  }
0x19: {  	s7 =	rddreg [dreg:$0x7]  }
0x1a: {  	[spmem:s14], [sflag:s7] =	dma.local [hbm:s6], $0x2000  }
0x1b: {  	s6 =	rddreg [dreg:$0x8]  }
0x1c: {  	[tilespmem:s4], [sflag:$0xC] =	stream.linear.gather [hbm4b:s6+s4], $0x3200, $0x38;
	[tilespmem:$0x1D400] =	vst v63  }
0x1d: {  	_ =	swait.ge [sflag:s15], $0x3200  }
0x1e: {  	[sflag:s15] =	ssyncset.done $0x0  }
0x1f: {  	[sflag:s15] =	ssyncadd.s32 $0xFFFFCE00  }
0x20: {  	[tilespmem:s17], [sflag:$0x1] =	stream.indirect.gather [hbm4b:s1+s16], $0x80, s4, s16, $0xb8;
	[tilespmem:$0x1D400] =	vst v63  }
0x21: {  	s7 =	simm.s32 $0x80  }
0x22: {  	[tilespmem:s19], [sflag:$0x2] =	stream.indirect.gather [hbm4b:s1+s16], $0x80, s7, s16, $0xb8;
	[tilespmem:$0x1D400] =	vst v63  }
0x23: {  	s8 =	simm.s32 $0x100  }
0x24: {  	[tilespmem:s21], [sflag:$0x3] =	stream.indirect.gather [hbm4b:s1+s16], $0x80, s8, s16, $0xb8;
	[tilespmem:$0x1D400] =	vst v63  }
0x25: {  	s9 =	simm.s32 $0x180  }
0x26: {  	[tilespmem:s23], [sflag:$0x4] =	stream.indirect.gather [hbm4b:s1+s16], $0x80, s9, s16, $0xb8;
	[tilespmem:$0x1D400] =	vst v63  }
0x27: {  	s10 =	simm.s32 $0x200  }
0x28: {  	[tilespmem:s25], [sflag:$0x5] =	stream.indirect.gather [hbm4b:s1+s16], $0x80, s10, s16, $0xb8;
	[tilespmem:$0x1D400] =	vst v63  }
0x29: {  	_ =	swait.ge [sflag:s26], $0x2000  }
0x2a: {  	[sflag:s26] =	ssyncset.done $0x0  }
0x2b: {  	[sflag:s26] =	ssyncadd.s32 $0xFFFFE000  }
0x2c: {  	[bflag:$0x0] =	sbarrier.arrive $0xFFFF  }
0x2d: {  	_ =	swait.ge [sflag:s28], $0x2000  }
0x2e: {  	s7 =	rddreg [dreg:$0x5];
	[sflag:s28] =	ssyncset.done $0x0  }
0x2f: {  	[sflag:s28] =	ssyncadd.s32 $0xFFFFE000;
	s6 =	sadd.s32 $0x0, s7  }
0x30: {  	[hbm4b:s6+s4] =	stream.linear.scatter [tilespmem:s17], [sflag:$0x6], $0x2000, $0x38;
	[tilespmem:$0x1D400] =	vst v63  }
0x31: {  	_ =	swait.ge [sflag:s29], $0x2000  }
0x32: {  	[sflag:s29] =	ssyncset.done $0x0  }
0x33: {  	s8 =	sadd.s32 $0x400, s6;
	[sflag:s29] =	ssyncadd.s32 $0xFFFFE000  }
0x34: {  	[hbm4b:s8+s4] =	stream.linear.scatter [tilespmem:s19], [sflag:$0x7], $0x2000, $0x38;
	[tilespmem:$0x1D400] =	vst v63  }
0x35: {  	_ =	swait.ge [sflag:s30], $0x2000  }
0x36: {  	[sflag:s30] =	ssyncset.done $0x0  }
0x37: {  	s9 =	sadd.s32 $0x800, s6;
	[sflag:s30] =	ssyncadd.s32 $0xFFFFE000  }
0x38: {  	[hbm4b:s9+s4] =	stream.linear.scatter [tilespmem:s21], [sflag:$0x8], $0x2000, $0x38;
	[tilespmem:$0x1D400] =	vst v63  }
0x39: {  	_ =	swait.ge [sflag:s31], $0x2000  }
0x3a: {  	[sflag:s31] =	ssyncset.done $0x0  }
0x3b: {  	s10 =	sadd.s32 $0xC00, s6;
	[sflag:s31] =	ssyncadd.s32 $0xFFFFE000  }
0x3c: {  	[hbm4b:s10+s4] =	stream.linear.scatter [tilespmem:s23], [sflag:$0x9], $0x2000, $0x38;
	[tilespmem:$0x1D400] =	vst v63  }
0x3d: {  	_ =	swait.ge [sflag:s2], $0x2000  }
0x3e: {  	[sflag:s2] =	ssyncset.done $0x0  }
0x3f: {  	s6 =	sadd.s32 $0x1000, s6;
	[sflag:s2] =	ssyncadd.s32 $0xFFFFE000  }
0x40: {  	[hbm4b:s6+s4] =	stream.linear.scatter [tilespmem:s25], [sflag:$0xA], $0x2000, $0x38;
	[tilespmem:$0x1D400] =	vst v63  }
0x41: {  	_ =	swait.ge [sflag:s0], $0x2000  }
0x42: {  	[sflag:s0] =	ssyncset.done $0x0  }
0x43: {  	s7 =	simm.s32 $0x280;
	[sflag:s0] =	ssyncadd.s32 $0xFFFFE000  }
0x44: {  	[tilespmem:s17], [sflag:$0x1] =	stream.indirect.gather [hbm4b:s1+s16], $0x80, s7, s16, $0xb8;
	[tilespmem:$0x1D400] =	vst v63  }
0x45: {  	_ =	swait.ge [sflag:s18], $0x2000  }
0x46: {  	[sflag:s18] =	ssyncset.done $0x0  }
0x47: {  	s8 =	simm.s32 $0x300;
	[sflag:s18] =	ssyncadd.s32 $0xFFFFE000  }
0x48: {  	[tilespmem:s19], [sflag:$0x2] =	stream.indirect.gather [spmem:s3], $0x80, s8, s16, $0xb8;
	[tilespmem:$0x1D400] =	vst v63  }
0x49: {  	_ =	swait.ge [sflag:s20], $0x2000  }
0x4a: {  	[sflag:s20] =	ssyncset.done $0x0  }
0x4b: {  	s9 =	simm.s32 $0x380;
	[sflag:s20] =	ssyncadd.s32 $0xFFFFE000  }
0x4c: {  	[tilespmem:s21], [sflag:$0x3] =	stream.indirect.gather [spmem:s3], $0x80, s9, s16, $0xb8;
	[tilespmem:$0x1D400] =	vst v63  }
0x4d: {  	_ =	swait.ge [sflag:s22], $0x2000  }
0x4e: {  	[sflag:s22] =	ssyncset.done $0x0  }
0x4f: {  	s10 =	simm.s32 $0x400;
	[sflag:s22] =	ssyncadd.s32 $0xFFFFE000  }
0x50: {  	[tilespmem:s23], [sflag:$0x4] =	stream.indirect.gather [spmem:s3], $0x80, s10, s16, $0xb8;
	[tilespmem:$0x1D400] =	vst v63  }
0x51: {  	_ =	swait.ge [sflag:s24], $0x2000  }
0x52: {  	s6 =	simm.s32 $0x480;
	[sflag:s24] =	ssyncset.done $0x0  }
0x53: {  	s7 =	simm.s32 $0x1400;
	s8 =	simm.s32 $0x700;
	[sflag:s24] =	ssyncadd.s32 $0xFFFFE000  }
.LBB2_2:
0x54: {  	[tilespmem:s25], [sflag:$0x5] =	stream.indirect.gather [spmem:s3], $0x80, s6, s16, $0xb8;
	[tilespmem:$0x1D400] =	vst v63  }
0x55: {  	_ =	swait.ge [sflag:s28], $0x2000  }
0x56: {  	s9 =	smov.u32 s7;
	s10 =	rddreg [dreg:$0x5];
	[sflag:s28] =	ssyncset.done $0x0  }
0x57: {  	[sflag:s28] =	ssyncadd.s32 $0xFFFFE000;
	s9 =	sadd.s32 s9, s10  }
0x58: {  	[hbm4b:s9+s4] =	stream.linear.scatter [tilespmem:s17], [sflag:$0x6], $0x2000, $0x38;
	[tilespmem:$0x1D400] =	vst v63  }
0x59: {  	_ =	swait.ge [sflag:s29], $0x2000  }
0x5a: {  	[sflag:s29] =	ssyncset.done $0x0  }
0x5b: {  	s10 =	sadd.s32 $0x400, s9;
	[sflag:s29] =	ssyncadd.s32 $0xFFFFE000  }
0x5c: {  	[hbm4b:s10+s4] =	stream.linear.scatter [tilespmem:s19], [sflag:$0x7], $0x2000, $0x38;
	[tilespmem:$0x1D400] =	vst v63  }
0x5d: {  	_ =	swait.ge [sflag:s30], $0x2000  }
0x5e: {  	[sflag:s30] =	ssyncset.done $0x0  }
0x5f: {  	s10 =	sadd.s32 $0x800, s9;
	[sflag:s30] =	ssyncadd.s32 $0xFFFFE000  }
0x60: {  	[hbm4b:s10+s4] =	stream.linear.scatter [tilespmem:s21], [sflag:$0x8], $0x2000, $0x38;
	[tilespmem:$0x1D400] =	vst v63  }
0x61: {  	_ =	swait.ge [sflag:s31], $0x2000  }
0x62: {  	[sflag:s31] =	ssyncset.done $0x0  }
0x63: {  	s10 =	sadd.s32 $0xC00, s9;
	[sflag:s31] =	ssyncadd.s32 $0xFFFFE000  }
0x64: {  	[hbm4b:s10+s4] =	stream.linear.scatter [tilespmem:s23], [sflag:$0x9], $0x2000, $0x38;
	[tilespmem:$0x1D400] =	vst v63  }
0x65: {  	_ =	swait.ge [sflag:s2], $0x2000  }
0x66: {  	[sflag:s2] =	ssyncset.done $0x0  }
0x67: {  	s9 =	sadd.s32 $0x1000, s9;
	[sflag:s2] =	ssyncadd.s32 $0xFFFFE000  }
0x68: {  	[hbm4b:s9+s4] =	stream.linear.scatter [tilespmem:s25], [sflag:$0xA], $0x2000, $0x38;
	[tilespmem:$0x1D400] =	vst v63  }
0x69: {  	_ =	swait.ge [sflag:s0], $0x2000  }
0x6a: {  	[sflag:s0] =	ssyncset.done $0x0  }
0x6b: {  	s10 =	sadd.s32 $0xFFFFFE00, s8;
	[sflag:s0] =	ssyncadd.s32 $0xFFFFE000  }
0x6c: {  	[tilespmem:s17], [sflag:$0x1] =	stream.indirect.gather [hbm4b:s1+s16], $0x80, s10, s16, $0xb8;
	[tilespmem:$0x1D400] =	vst v63  }
0x6d: {  	_ =	swait.ge [sflag:s18], $0x2000  }
0x6e: {  	[sflag:s18] =	ssyncset.done $0x0  }
0x6f: {  	s10 =	sadd.s32 $0xFFFFFE80, s8;
	[sflag:s18] =	ssyncadd.s32 $0xFFFFE000  }
0x70: {  	[tilespmem:s19], [sflag:$0x2] =	stream.indirect.gather [spmem:s3], $0x80, s10, s16, $0xb8;
	[tilespmem:$0x1D400] =	vst v63  }
0x71: {  	_ =	swait.ge [sflag:s20], $0x2000  }
0x72: {  	[sflag:s20] =	ssyncset.done $0x0  }
0x73: {  	s10 =	sadd.s32 $0xFFFFFF00, s8;
	[sflag:s20] =	ssyncadd.s32 $0xFFFFE000  }
0x74: {  	[tilespmem:s21], [sflag:$0x3] =	stream.indirect.gather [spmem:s3], $0x80, s10, s16, $0xb8;
	[tilespmem:$0x1D400] =	vst v63  }
0x75: {  	_ =	swait.ge [sflag:s22], $0x2000  }
0x76: {  	p0 =	sne.s32 s7, $0x16800;
	[sflag:s22] =	ssyncset.done $0x0  }
.Ltmp0:
0x77: {  	s10 =	sadd.s32 $0xFFFFFF80, s8;
	[sflag:s22] =	ssyncadd.s32 $0xFFFFE000;
	(pc) =	sbr.rel @p0 .LBB2_2-.Ltmp0, $4  }
0x78: {  	[tilespmem:s23], [sflag:$0x4] =	stream.indirect.gather [spmem:s3], $0x80, s10, s16, $0xb8;
	[tilespmem:$0x1D400] =	vst v63  }
0x79: {  	_ =	swait.ge [sflag:s24], $0x2000  }
0x7a: {  	s6 =	smov.u32 s8;
	[sflag:s24] =	ssyncset.done $0x0  }
0x7b: {  	s7 =	sadd.s32 $0x1400, s7;
	s8 =	sadd.s32 $0x280, s8;
	[sflag:s24] =	ssyncadd.s32 $0xFFFFE000  }
0x7c: {  	[tilespmem:s25], [sflag:$0x5] =	stream.indirect.gather [spmem:s3], $0x80, s6, s16, $0xb8;
	[tilespmem:$0x1D400] =	vst v63  }
0x7d: {  	_ =	swait.ge [sflag:s28], $0x2000  }
0x7e: {  	[sflag:s28] =	ssyncset.done $0x0  }
0x7f: {  	s8 =	rddreg [dreg:$0xa];
	[sflag:s28] =	ssyncadd.s32 $0xFFFFE000  }
0x80: {  	[hbm4b:s8+s4] =	stream.linear.scatter [tilespmem:s17], [sflag:$0x6], $0x2000, $0x38;
	[tilespmem:$0x1D400] =	vst v63  }
0x81: {  	_ =	swait.ge [sflag:s29], $0x2000  }
0x82: {  	[sflag:s29] =	ssyncset.done $0x0  }
0x83: {  	s9 =	rddreg [dreg:$0xb];
	[sflag:s29] =	ssyncadd.s32 $0xFFFFE000  }
0x84: {  	[hbm4b:s9+s4] =	stream.linear.scatter [tilespmem:s19], [sflag:$0x7], $0x2000, $0x38;
	[tilespmem:$0x1D400] =	vst v63  }
0x85: {  	_ =	swait.ge [sflag:s30], $0x2000  }
0x86: {  	[sflag:s30] =	ssyncset.done $0x0  }
0x87: {  	[sflag:s30] =	ssyncadd.s32 $0xFFFFE000  }
0x88: {  	[hbm4b:s11+s4] =	stream.linear.scatter [tilespmem:s21], [sflag:$0x8], $0x2000, $0x38;
	[tilespmem:$0x1D400] =	vst v63  }
0x89: {  	_ =	swait.ge [sflag:s31], $0x2000  }
0x8a: {  	[sflag:s31] =	ssyncset.done $0x0  }
0x8b: {  	[sflag:s31] =	ssyncadd.s32 $0xFFFFE000  }
0x8c: {  	[hbm4b:s12+s4] =	stream.linear.scatter [tilespmem:s23], [sflag:$0x9], $0x2000, $0x38;
	[tilespmem:$0x1D400] =	vst v63  }
0x8d: {  	_ =	swait.ge [sflag:s2], $0x2000  }
0x8e: {  	[sflag:s2] =	ssyncset.done $0x0  }
0x8f: {  	[sflag:s2] =	ssyncadd.s32 $0xFFFFE000  }
0x90: {  	[hbm4b:s13+s4] =	stream.linear.scatter [tilespmem:s25], [sflag:$0xA], $0x2000, $0x38;
	[tilespmem:$0x1D400] =	vst v63  }
0x91: {  	_ =	swait.ge [sflag:s0], $0x2000  }
0x92: {  	[sflag:s0] =	ssyncset.done $0x0  }
0x93: {  	[sflag:s0] =	ssyncadd.s32 $0xFFFFE000  }
0x94: {  	_ =	swait.ge [sflag:s18], $0x2000  }
0x95: {  	[sflag:s18] =	ssyncset.done $0x0  }
0x96: {  	[sflag:s18] =	ssyncadd.s32 $0xFFFFE000  }
0x97: {  	_ =	swait.ge [sflag:s20], $0x2000  }
0x98: {  	[sflag:s20] =	ssyncset.done $0x0  }
0x99: {  	[sflag:s20] =	ssyncadd.s32 $0xFFFFE000  }
0x9a: {  	_ =	swait.ge [sflag:s22], $0x2000  }
0x9b: {  	[sflag:s22] =	ssyncset.done $0x0  }
0x9c: {  	[sflag:s22] =	ssyncadd.s32 $0xFFFFE000  }
0x9d: {  	_ =	swait.ge [sflag:s24], $0x2000  }
0x9e: {  	s5 =	sadd.s32 $0x1, s5;
	s10 =	rddreg [dreg:$0x9]  }
0x9f: {  	p0 =	sne.s32 s5, s10  }
.Ltmp1:
0xa0: {  	_ = 	snop;
	(pc) =	sbr.rel @p0 .LBB2_1-.Ltmp1, $3  }
0xa1: {  	_ =	sdelay $0x1  }
0xa2: {  	[sflag:s24] =	ssyncset.done $0x0  }
0xa3: {  	[sflag:s24] =	ssyncadd.s32 $0xFFFFE000  }
0xa4: {  	_ =	sfence.sel $0x180000  }
0xa5: {  	[bflag:$0x0] =	sbarrier.arrive $0xFFFF  }
0xa6: {  	_ =	strace $0x90000047  }
0xa7: {  	s0 =	stileid.u32;
	[bflag:$0x2] =	sbarrier.arrive $0xFFFF  }
0xa8: {  	p0 =	sne.s32 s0, $0x0;
	s0 =	rddreg [dreg:$0x4]  }
0xa9: {  	s0 =	sadd.s32 @!p0 $0x100000, s0  }
0xaa: {  	[sflag:s0] =	ssyncadd.tile.s32 @!p0 $0x1;
	_ =	shalt  }
.Lfunc_end2:
_tile_overlayer_lowered:
.L_overlay_start_2:
0xab: {  	(tag) =	ssettag $0x2  }
0xac: {  	s0 =	rddreg [dreg:$0x0];
	s2 =	stileid.u32  }
0xad: {  	s1 =	rddreg [dreg:$0x1];
	p0 =	sne.s32 s2, $0x0  }
0xae: {  	s3 =	rddreg [dreg:$0x2];
	[bflag:$0x3] =	sbarrier.arrive $0xFFFF;
	s2 =	simm.s32 @!p0 $0x1C0C  }
0xaf: {  	[timem:s3], [sflag:s2] =	dma.local @!p0 [hbm:s0], s1  }
0xb0: {  	s0 =	simm.s32 @!p0 $0xC  }
0xb1: {  	_ =	swait.ge @!p0 [sflag:s0], s1  }
0xb2: {  	s1 =	ssub.s32 @!p0 $0x0, s1;
	[sflag:s0] =	ssyncset.done @!p0 $0x0  }
0xb3: {  	[sflag:s0] =	ssyncadd.s32 @!p0 s1  }
0xb4: {  	[bflag:$0x3] =	sbarrier.arrive $0xFFFF  }
0xb5: {  	_ =	shalt  }

</sc_bundles>
